<compile_context>
chip_gen: v7x
topology: tpu7x:2x2x1
jax: 0.10.2.dev20260603
libtpu: 0.0.44.dev20260713+nightly
codegen_flags: <defaults>
</compile_context>

<pallas_src>
import functools

import jax
import jax.numpy as jnp
from jax import lax
from jax.experimental import pallas as pl
from jax.experimental.pallas import tpu as pltpu
from jax.experimental.pallas import tpu_sc as plsc

_MAX_TIME = 1.0
_TIME_NUM = 100000

_NC, _NS = 2, 16
_NW = _NC * _NS
_G = 128
_NBUF = 2


def _sc_body(n_chunks, t_hbm, emb_hbm, out_hbm,
             t_v, idx_v, rows, gsems, ssems):
    b_per_w = n_chunks * _G
    wid = lax.axis_index("s") * _NC + lax.axis_index("c")
    base = wid * b_per_w

    pltpu.sync_copy(t_hbm.at[pl.ds(base, b_per_w)], t_v)

    scale = float(_TIME_NUM - 1) / float(_MAX_TIME)

    def quant(j, _):
        for i in range(_G // 16):
            v = t_v[pl.ds(j * _G + i * 16, 16)]
            idx_v[j, pl.ds(i * 16, 16)] = (v * scale).astype(jnp.int32)
        return 0

    lax.fori_loop(0, n_chunks, quant, 0)

    n_outer = n_chunks // _NBUF

    def fire_gather(chunk, b):
        return pltpu.async_copy(emb_hbm.at[idx_v.at[chunk]], rows[b], gsems[b])

    for b in range(_NBUF):
        fire_gather(b, b)

    def outer(p, _):
        g0 = p * _NBUF
        for b in range(_NBUF):
            pltpu.make_async_copy(emb_hbm.at[idx_v.at[g0 + b]], rows[b],
                                  gsems[b]).wait()
            pltpu.async_copy(rows[b],
                             out_hbm.at[pl.ds(base + (g0 + b) * _G, _G)],
                             ssems[b])
        for b in range(_NBUF):
            @pl.when(p + 1 < n_outer)
            def _():
                pltpu.make_async_copy(rows[b],
                                      out_hbm.at[pl.ds(base + (g0 + b) * _G, _G)],
                                      ssems[b]).wait()
                fire_gather(g0 + _NBUF + b, b)
        return 0

    lax.fori_loop(0, n_outer, outer, 0)

    last0 = (n_outer - 1) * _NBUF
    for b in range(_NBUF):
        pltpu.make_async_copy(rows[b],
                              out_hbm.at[pl.ds(base + (last0 + b) * _G, _G)],
                              ssems[b]).wait()


def _build(B, V, D):
    assert B % (_NW * _G) == 0
    b_per_w = B // _NW
    n_chunks = b_per_w // _G
    mesh = plsc.VectorSubcoreMesh(core_axis_name="c", subcore_axis_name="s",
                                  num_cores=_NC, num_subcores=_NS)
    scratch = [
        pltpu.VMEM((n_chunks * _G,), jnp.float32),
        pltpu.VMEM((n_chunks, _G), jnp.int32),
        tuple(pltpu.VMEM((_G, D), jnp.float32) for _ in range(_NBUF)),
        tuple(pltpu.SemaphoreType.DMA for _ in range(_NBUF)),
        tuple(pltpu.SemaphoreType.DMA for _ in range(_NBUF)),
    ]
    return pl.kernel(
        functools.partial(_sc_body, n_chunks),
        out_type=jax.ShapeDtypeStruct((B, D), jnp.float32),
        mesh=mesh,
        scratch_types=scratch,
    )


@jax.jit
def kernel(t, emb):
    B = t.size
    V, D = emb.shape
    out = _build(B, V, D)(t.reshape(B), emb)
    return out.reshape(*t.shape, D)

# --- scband reference (transcript-rebuilt; emitter-appended) ---
"""Pipeline reference for scband-embed-encoder-79310866087962 (READ-ONLY COPY).

The authoritative reference and input builder live on the scoring server;
editing this copy changes nothing except your own understanding.
"""

import jax, jax.numpy as jnp
import numpy as np

MAX_TIME = 1.0
TIME_NUM = 100000
DIM = 128

def setup_inputs(seed: int = 0) -> dict:
    key = jax.random.key(seed)
    k1, k2 = jax.random.split(key)
    t = jax.random.uniform(k1, (4096, 50), dtype=jnp.float32)  # times in [0, MAX_TIME)
    emb = jax.random.normal(k2, (TIME_NUM, DIM), dtype=jnp.float32)
    return {"t": t, "emb": emb}

def reference(t, emb):
    # t = (t / max_time * (time_num - 1)).to(torch.long)
    idx = (t / MAX_TIME * (TIME_NUM - 1)).astype(jnp.int32)
    # nn.Embedding lookup -> row gather
    return jnp.take(emb, idx, axis=0)

if __name__ == "__main__":
    import jax
    _d = setup_inputs()
    print(jax.jit(kernel)(*tuple(_d.values())))

</pallas_src>

<mosaic_0001>
#map = affine_map<(d0, d1) -> (0)>
#map1 = affine_map<(d0, d1) -> (0, 0)>
module attributes {stable_mosaic.version = 14 : i64} {
  func.func @_sc_body(%arg0: i32, %arg1: i32, %arg2: memref<204800xf32, #tpu.memory_space<hbm>>, %arg3: memref<100000x128xf32, #tpu.memory_space<hbm>>, %arg4: memref<204800x128xf32, #tpu.memory_space<hbm>>, %arg5: memref<6400xf32, #tpu.memory_space<vmem>>, %arg6: memref<50x128xi32, #tpu.memory_space<vmem>>, %arg7: memref<128x128xf32, #tpu.memory_space<vmem>>, %arg8: memref<128x128xf32, #tpu.memory_space<vmem>>, %arg9: memref<!tpu.dma_semaphore, #tpu.memory_space<semaphore_mem>>, %arg10: memref<!tpu.dma_semaphore, #tpu.memory_space<semaphore_mem>>, %arg11: memref<!tpu.dma_semaphore, #tpu.memory_space<semaphore_mem>>, %arg12: memref<!tpu.dma_semaphore, #tpu.memory_space<semaphore_mem>>) attributes {dimension_semantics = [#tpu.dimension_semantics<core_parallel>, #tpu.dimension_semantics<subcore_parallel>], iteration_bounds = array<i64: 2, 16>, scalar_prefetch = 0 : i64, scratch_operands = 8 : i64, tpu.core_type = #tpu.core_type<sc_vector_subcore>, window_params = [{transform_indices = #map}, {transform_indices = #map1}, {transform_indices = #map1}]} {
    %mul3A = arith.constant 2 : i32
    %mul3A_0 = arith.muli %arg1, %mul3A : i32
    %add3A = arith.addi %mul3A_0, %arg0 : i32
    %mul3A_1 = arith.constant 6400 : i32
    %mul3A_2 = arith.muli %add3A, %mul3A_1 : i32
    "tpu.region"() ({
      %run_scoped3A = tpu.sem_alloc : memref<!tpu.dma_semaphore, #tpu.memory_space<semaphore_mem>>
      %dma_start3A_40 = tpu.memref_slice %arg2[%mul3A_2] : memref<204800xf32, #tpu.memory_space<hbm>> -> memref<6400xf32, #tpu.memory_space<hbm>>
      %dma_start3A_41 = tpu.memref_slice %arg2[%mul3A_2] : memref<204800xf32, #tpu.memory_space<hbm>> -> memref<6400xf32, #tpu.memory_space<hbm>>
      tpu.enqueue_dma source(%dma_start3A_41 : memref<6400xf32, #tpu.memory_space<hbm>>) target(%arg5 : memref<6400xf32, #tpu.memory_space<vmem>>) target_semaphore(%run_scoped3A : memref<!tpu.dma_semaphore, #tpu.memory_space<semaphore_mem>>)
      %dma_wait3A_42 = tpu.memref_slice %arg2[%mul3A_2] : memref<204800xf32, #tpu.memory_space<hbm>> -> memref<6400xf32, #tpu.memory_space<hbm>>
      %dma_wait3A_43 = tpu.memref_slice %arg2[%mul3A_2] : memref<204800xf32, #tpu.memory_space<hbm>> -> memref<6400xf32, #tpu.memory_space<hbm>>
      tpu.wait_dma2 semaphore(%run_scoped3A : memref<!tpu.dma_semaphore, #tpu.memory_space<semaphore_mem>>) src(%dma_wait3A_43 : memref<6400xf32, #tpu.memory_space<hbm>>) dst(%arg5 : memref<6400xf32, #tpu.memory_space<vmem>>)
      tpu.yield
    }) : () -> ()
    %scan3A = arith.constant 0 : i32
    %scan3A_3 = arith.constant 0 : i32
    %scan3A_4 = arith.constant 50 : i32
    %scan3A_5 = arith.addi %scan3A_3, %scan3A_4 : i32
    %scan3A_6 = arith.constant 1 : i32
    %scan3A_7 = scf.for %scan3A_40 = %scan3A_3 to %scan3A_5 step %scan3A_6 iter_args(%scan3A_41 = %scan3A) -> (i32)  : i32 {
      %mul3A_42 = arith.constant 128 : i32
      %mul3A_43 = arith.muli %scan3A_40, %mul3A_42 : i32
      %add3A_44 = arith.constant 0 : i32
      %add3A_45 = arith.addi %mul3A_43, %add3A_44 : i32
      %get3A = arith.index_cast %add3A_45 : i32 to index
      %get3A_46 = tpu.vector_load %arg5[%get3A] {strides = array<i32>} : memref<6400xf32, #tpu.memory_space<vmem>>, vector<16xf32>,
      %get3A_47 = vector.shape_cast %get3A_46 : vector<16xf32> to vector<16xf32>
      %mul3A_48 = arith.constant 9.999900e+04 : f32
      %mul3A_49 = vector.broadcast %mul3A_48 : f32 to vector<16xf32>
      %mul3A_50 = arith.mulf %get3A_47, %mul3A_49 : vector<16xf32>
      %convert_element_type3A = arith.fptosi %mul3A_50 : vector<16xf32> to vector<16xi32>
      %swap3A = arith.index_cast %scan3A_40 : i32 to index
      %swap3A_51 = arith.constant 0 : index
      %swap3A_52 = tpu.vector_load %arg6[%swap3A, %swap3A_51] {strides = array<i32>} : memref<50x128xi32, #tpu.memory_space<vmem>>, vector<1x16xi32>,
      %swap3A_53 = vector.shape_cast %swap3A_52 : vector<1x16xi32> to vector<16xi32>
      %swap3A_54 = vector.shape_cast %convert_element_type3A : vector<16xi32> to vector<1x16xi32>
      tpu.vector_store %arg6[%swap3A, %swap3A_51], %swap3A_54 {strides = array<i32>} : memref<50x128xi32, #tpu.memory_space<vmem>>, vector<1x16xi32>,
      %mul3A_55 = arith.constant 128 : i32
      %mul3A_56 = arith.muli %scan3A_40, %mul3A_55 : i32
      %add3A_57 = arith.constant 16 : i32
      %add3A_58 = arith.addi %mul3A_56, %add3A_57 : i32
      %get3A_59 = arith.index_cast %add3A_58 : i32 to index
      %get3A_60 = tpu.vector_load %arg5[%get3A_59] {strides = array<i32>} : memref<6400xf32, #tpu.memory_space<vmem>>, vector<16xf32>,
      %get3A_61 = vector.shape_cast %get3A_60 : vector<16xf32> to vector<16xf32>
      %mul3A_62 = arith.constant 9.999900e+04 : f32
      %mul3A_63 = vector.broadcast %mul3A_62 : f32 to vector<16xf32>
      %mul3A_64 = arith.mulf %get3A_61, %mul3A_63 : vector<16xf32>
      %convert_element_type3A_65 = arith.fptosi %mul3A_64 : vector<16xf32> to vector<16xi32>
      %swap3A_66 = arith.index_cast %scan3A_40 : i32 to index
      %swap3A_67 = arith.constant 16 : index
      %swap3A_68 = tpu.vector_load %arg6[%swap3A_66, %swap3A_67] {strides = array<i32>} : memref<50x128xi32, #tpu.memory_space<vmem>>, vector<1x16xi32>,
      %swap3A_69 = vector.shape_cast %swap3A_68 : vector<1x16xi32> to vector<16xi32>
      %swap3A_70 = vector.shape_cast %convert_element_type3A_65 : vector<16xi32> to vector<1x16xi32>
      tpu.vector_store %arg6[%swap3A_66, %swap3A_67], %swap3A_70 {strides = array<i32>} : memref<50x128xi32, #tpu.memory_space<vmem>>, vector<1x16xi32>,
      %mul3A_71 = arith.constant 128 : i32
      %mul3A_72 = arith.muli %scan3A_40, %mul3A_71 : i32
      %add3A_73 = arith.constant 32 : i32
      %add3A_74 = arith.addi %mul3A_72, %add3A_73 : i32
      %get3A_75 = arith.index_cast %add3A_74 : i32 to index
      %get3A_76 = tpu.vector_load %arg5[%get3A_75] {strides = array<i32>} : memref<6400xf32, #tpu.memory_space<vmem>>, vector<16xf32>,
      %get3A_77 = vector.shape_cast %get3A_76 : vector<16xf32> to vector<16xf32>
      %mul3A_78 = arith.constant 9.999900e+04 : f32
      %mul3A_79 = vector.broadcast %mul3A_78 : f32 to vector<16xf32>
      %mul3A_80 = arith.mulf %get3A_77, %mul3A_79 : vector<16xf32>
      %convert_element_type3A_81 = arith.fptosi %mul3A_80 : vector<16xf32> to vector<16xi32>
      %swap3A_82 = arith.index_cast %scan3A_40 : i32 to index
      %swap3A_83 = arith.constant 32 : index
      %swap3A_84 = tpu.vector_load %arg6[%swap3A_82, %swap3A_83] {strides = array<i32>} : memref<50x128xi32, #tpu.memory_space<vmem>>, vector<1x16xi32>,
      %swap3A_85 = vector.shape_cast %swap3A_84 : vector<1x16xi32> to vector<16xi32>
      %swap3A_86 = vector.shape_cast %convert_element_type3A_81 : vector<16xi32> to vector<1x16xi32>
      tpu.vector_store %arg6[%swap3A_82, %swap3A_83], %swap3A_86 {strides = array<i32>} : memref<50x128xi32, #tpu.memory_space<vmem>>, vector<1x16xi32>,
      %mul3A_87 = arith.constant 128 : i32
      %mul3A_88 = arith.muli %scan3A_40, %mul3A_87 : i32
      %add3A_89 = arith.constant 48 : i32
      %add3A_90 = arith.addi %mul3A_88, %add3A_89 : i32
      %get3A_91 = arith.index_cast %add3A_90 : i32 to index
      %get3A_92 = tpu.vector_load %arg5[%get3A_91] {strides = array<i32>} : memref<6400xf32, #tpu.memory_space<vmem>>, vector<16xf32>,
      %get3A_93 = vector.shape_cast %get3A_92 : vector<16xf32> to vector<16xf32>
      %mul3A_94 = arith.constant 9.999900e+04 : f32
      %mul3A_95 = vector.broadcast %mul3A_94 : f32 to vector<16xf32>
      %mul3A_96 = arith.mulf %get3A_93, %mul3A_95 : vector<16xf32>
      %convert_element_type3A_97 = arith.fptosi %mul3A_96 : vector<16xf32> to vector<16xi32>
      %swap3A_98 = arith.index_cast %scan3A_40 : i32 to index
      %swap3A_99 = arith.constant 48 : index
      %swap3A_100 = tpu.vector_load %arg6[%swap3A_98, %swap3A_99] {strides = array<i32>} : memref<50x128xi32, #tpu.memory_space<vmem>>, vector<1x16xi32>,
      %swap3A_101 = vector.shape_cast %swap3A_100 : vector<1x16xi32> to vector<16xi32>
      %swap3A_102 = vector.shape_cast %convert_element_type3A_97 : vector<16xi32> to vector<1x16xi32>
      tpu.vector_store %arg6[%swap3A_98, %swap3A_99], %swap3A_102 {strides = array<i32>} : memref<50x128xi32, #tpu.memory_space<vmem>>, vector<1x16xi32>,
      %mul3A_103 = arith.constant 128 : i32
      %mul3A_104 = arith.muli %scan3A_40, %mul3A_103 : i32
      %add3A_105 = arith.constant 64 : i32
      %add3A_106 = arith.addi %mul3A_104, %add3A_105 : i32
      %get3A_107 = arith.index_cast %add3A_106 : i32 to index
      %get3A_108 = tpu.vector_load %arg5[%get3A_107] {strides = array<i32>} : memref<6400xf32, #tpu.memory_space<vmem>>, vector<16xf32>,
      %get3A_109 = vector.shape_cast %get3A_108 : vector<16xf32> to vector<16xf32>
      %mul3A_110 = arith.constant 9.999900e+04 : f32
      %mul3A_111 = vector.broadcast %mul3A_110 : f32 to vector<16xf32>
      %mul3A_112 = arith.mulf %get3A_109, %mul3A_111 : vector<16xf32>
      %convert_element_type3A_113 = arith.fptosi %mul3A_112 : vector<16xf32> to vector<16xi32>
      %swap3A_114 = arith.index_cast %scan3A_40 : i32 to index
      %swap3A_115 = arith.constant 64 : index
      %swap3A_116 = tpu.vector_load %arg6[%swap3A_114, %swap3A_115] {strides = array<i32>} : memref<50x128xi32, #tpu.memory_space<vmem>>, vector<1x16xi32>,
      %swap3A_117 = vector.shape_cast %swap3A_116 : vector<1x16xi32> to vector<16xi32>
      %swap3A_118 = vector.shape_cast %convert_element_type3A_113 : vector<16xi32> to vector<1x16xi32>
      tpu.vector_store %arg6[%swap3A_114, %swap3A_115], %swap3A_118 {strides = array<i32>} : memref<50x128xi32, #tpu.memory_space<vmem>>, vector<1x16xi32>,
      %mul3A_119 = arith.constant 128 : i32
      %mul3A_120 = arith.muli %scan3A_40, %mul3A_119 : i32
      %add3A_121 = arith.constant 80 : i32
      %add3A_122 = arith.addi %mul3A_120, %add3A_121 : i32
      %get3A_123 = arith.index_cast %add3A_122 : i32 to index
      %get3A_124 = tpu.vector_load %arg5[%get3A_123] {strides = array<i32>} : memref<6400xf32, #tpu.memory_space<vmem>>, vector<16xf32>,
      %get3A_125 = vector.shape_cast %get3A_124 : vector<16xf32> to vector<16xf32>
      %mul3A_126 = arith.constant 9.999900e+04 : f32
      %mul3A_127 = vector.broadcast %mul3A_126 : f32 to vector<16xf32>
      %mul3A_128 = arith.mulf %get3A_125, %mul3A_127 : vector<16xf32>
      %convert_element_type3A_129 = arith.fptosi %mul3A_128 : vector<16xf32> to vector<16xi32>
      %swap3A_130 = arith.index_cast %scan3A_40 : i32 to index
      %swap3A_131 = arith.constant 80 : index
      %swap3A_132 = tpu.vector_load %arg6[%swap3A_130, %swap3A_131] {strides = array<i32>} : memref<50x128xi32, #tpu.memory_space<vmem>>, vector<1x16xi32>,
      %swap3A_133 = vector.shape_cast %swap3A_132 : vector<1x16xi32> to vector<16xi32>
      %swap3A_134 = vector.shape_cast %convert_element_type3A_129 : vector<16xi32> to vector<1x16xi32>
      tpu.vector_store %arg6[%swap3A_130, %swap3A_131], %swap3A_134 {strides = array<i32>} : memref<50x128xi32, #tpu.memory_space<vmem>>, vector<1x16xi32>,
      %mul3A_135 = arith.constant 128 : i32
      %mul3A_136 = arith.muli %scan3A_40, %mul3A_135 : i32
      %add3A_137 = arith.constant 96 : i32
      %add3A_138 = arith.addi %mul3A_136, %add3A_137 : i32
      %get3A_139 = arith.index_cast %add3A_138 : i32 to index
      %get3A_140 = tpu.vector_load %arg5[%get3A_139] {strides = array<i32>} : memref<6400xf32, #tpu.memory_space<vmem>>, vector<16xf32>,
      %get3A_141 = vector.shape_cast %get3A_140 : vector<16xf32> to vector<16xf32>
      %mul3A_142 = arith.constant 9.999900e+04 : f32
      %mul3A_143 = vector.broadcast %mul3A_142 : f32 to vector<16xf32>
      %mul3A_144 = arith.mulf %get3A_141, %mul3A_143 : vector<16xf32>
      %convert_element_type3A_145 = arith.fptosi %mul3A_144 : vector<16xf32> to vector<16xi32>
      %swap3A_146 = arith.index_cast %scan3A_40 : i32 to index
      %swap3A_147 = arith.constant 96 : index
      %swap3A_148 = tpu.vector_load %arg6[%swap3A_146, %swap3A_147] {strides = array<i32>} : memref<50x128xi32, #tpu.memory_space<vmem>>, vector<1x16xi32>,
      %swap3A_149 = vector.shape_cast %swap3A_148 : vector<1x16xi32> to vector<16xi32>
      %swap3A_150 = vector.shape_cast %convert_element_type3A_145 : vector<16xi32> to vector<1x16xi32>
      tpu.vector_store %arg6[%swap3A_146, %swap3A_147], %swap3A_150 {strides = array<i32>} : memref<50x128xi32, #tpu.memory_space<vmem>>, vector<1x16xi32>,
      %mul3A_151 = arith.constant 128 : i32
      %mul3A_152 = arith.muli %scan3A_40, %mul3A_151 : i32
      %add3A_153 = arith.constant 112 : i32
      %add3A_154 = arith.addi %mul3A_152, %add3A_153 : i32
      %get3A_155 = arith.index_cast %add3A_154 : i32 to index
      %get3A_156 = tpu.vector_load %arg5[%get3A_155] {strides = array<i32>} : memref<6400xf32, #tpu.memory_space<vmem>>, vector<16xf32>,
      %get3A_157 = vector.shape_cast %get3A_156 : vector<16xf32> to vector<16xf32>
      %mul3A_158 = arith.constant 9.999900e+04 : f32
      %mul3A_159 = vector.broadcast %mul3A_158 : f32 to vector<16xf32>
      %mul3A_160 = arith.mulf %get3A_157, %mul3A_159 : vector<16xf32>
      %convert_element_type3A_161 = arith.fptosi %mul3A_160 : vector<16xf32> to vector<16xi32>
      %swap3A_162 = arith.index_cast %scan3A_40 : i32 to index
      %swap3A_163 = arith.constant 112 : index
      %swap3A_164 = tpu.vector_load %arg6[%swap3A_162, %swap3A_163] {strides = array<i32>} : memref<50x128xi32, #tpu.memory_space<vmem>>, vector<1x16xi32>,
      %swap3A_165 = vector.shape_cast %swap3A_164 : vector<1x16xi32> to vector<16xi32>
      %swap3A_166 = vector.shape_cast %convert_element_type3A_161 : vector<16xi32> to vector<1x16xi32>
      tpu.vector_store %arg6[%swap3A_162, %swap3A_163], %swap3A_166 {strides = array<i32>} : memref<50x128xi32, #tpu.memory_space<vmem>>, vector<1x16xi32>,
      %scan3A_167 = arith.constant 0 : i32
      scf.yield %scan3A_167 : i32
    }
    %scan3A_8 = arith.constant 50 : i32
    %dma_start3A = arith.constant 0 : i32
    %dma_start3A_9 = arith.constant 0 : i32
    %dma_start3A_10 = tpu.memref_slice %arg6[%dma_start3A, %dma_start3A_9] : memref<50x128xi32, #tpu.memory_space<vmem>> -> memref<1x128xi32, #tpu.memory_space<vmem>>
    %dma_start3A_11 = tpu.memref_squeeze %dma_start3A_10 : memref<1x128xi32, #tpu.memory_space<vmem>> -> memref<128xi32, #tpu.memory_space<vmem>>
    %dma_start3A_12 = arith.constant 0 : i32
    %dma_start3A_13 = arith.constant 0 : i32
    %dma_start3A_14 = tpu.memref_slice %arg3[%dma_start3A_12, %dma_start3A_13] : memref<100000x128xf32, #tpu.memory_space<hbm>> -> memref<100000x128xf32, #tpu.memory_space<hbm>>
    tpu.enqueue_indirect_dma source(%dma_start3A_14 : memref<100000x128xf32, #tpu.memory_space<hbm>>) target(%arg7 : memref<128x128xf32, #tpu.memory_space<vmem>>) offsets(%dma_start3A_11 : memref<128xi32, #tpu.memory_space<vmem>>) semaphore(%arg9 : memref<!tpu.dma_semaphore, #tpu.memory_space<semaphore_mem>>)
    %dma_start3A_15 = arith.constant 1 : i32
    %dma_start3A_16 = arith.constant 0 : i32
    %dma_start3A_17 = tpu.memref_slice %arg6[%dma_start3A_15, %dma_start3A_16] : memref<50x128xi32, #tpu.memory_space<vmem>> -> memref<1x128xi32, #tpu.memory_space<vmem>>
    %dma_start3A_18 = tpu.memref_squeeze %dma_start3A_17 : memref<1x128xi32, #tpu.memory_space<vmem>> -> memref<128xi32, #tpu.memory_space<vmem>>
    %dma_start3A_19 = arith.constant 0 : i32
    %dma_start3A_20 = arith.constant 0 : i32
    %dma_start3A_21 = tpu.memref_slice %arg3[%dma_start3A_19, %dma_start3A_20] : memref<100000x128xf32, #tpu.memory_space<hbm>> -> memref<100000x128xf32, #tpu.memory_space<hbm>>
    tpu.enqueue_indirect_dma source(%dma_start3A_21 : memref<100000x128xf32, #tpu.memory_space<hbm>>) target(%arg8 : memref<128x128xf32, #tpu.memory_space<vmem>>) offsets(%dma_start3A_18 : memref<128xi32, #tpu.memory_space<vmem>>) semaphore(%arg10 : memref<!tpu.dma_semaphore, #tpu.memory_space<semaphore_mem>>)
    %scan3A_22 = arith.constant 0 : i32
    %scan3A_23 = arith.constant 0 : i32
    %scan3A_24 = arith.constant 25 : i32
    %scan3A_25 = arith.addi %scan3A_23, %scan3A_24 : i32
    %scan3A_26 = arith.constant 1 : i32
    %scan3A_27 = scf.for %scan3A_40 = %scan3A_23 to %scan3A_25 step %scan3A_26 iter_args(%scan3A_41 = %scan3A_22) -> (i32)  : i32 {
      %mul3A_42 = arith.constant 2 : i32
      %mul3A_43 = arith.muli %scan3A_40, %mul3A_42 : i32
      %add3A_44 = arith.constant 0 : i32
      %add3A_45 = arith.addi %mul3A_43, %add3A_44 : i32
      %dma_wait3A_46 = arith.constant 0 : i32
      %dma_wait3A_47 = tpu.memref_slice %arg6[%add3A_45, %dma_wait3A_46] : memref<50x128xi32, #tpu.memory_space<vmem>> -> memref<1x128xi32, #tpu.memory_space<vmem>>
      %dma_wait3A_48 = tpu.memref_squeeze %dma_wait3A_47 : memref<1x128xi32, #tpu.memory_space<vmem>> -> memref<128xi32, #tpu.memory_space<vmem>>
      %dma_wait3A_49 = arith.constant 0 : i32
      %dma_wait3A_50 = arith.constant 0 : i32
      %dma_wait3A_51 = tpu.memref_slice %arg3[%dma_wait3A_49, %dma_wait3A_50] : memref<100000x128xf32, #tpu.memory_space<hbm>> -> memref<100000x128xf32, #tpu.memory_space<hbm>>
      tpu.wait_indirect_dma semaphore(%arg9 : memref<!tpu.dma_semaphore, #tpu.memory_space<semaphore_mem>>) src(%dma_wait3A_51 : memref<100000x128xf32, #tpu.memory_space<hbm>>) dst(%arg7 : memref<128x128xf32, #tpu.memory_space<vmem>>)
      %add3A_52 = arith.constant 0 : i32
      %add3A_53 = arith.addi %mul3A_43, %add3A_52 : i32
      %mul3A_54 = arith.constant 128 : i32
      %mul3A_55 = arith.muli %add3A_53, %mul3A_54 : i32
      %add3A_56 = arith.addi %mul3A_2, %mul3A_55 : i32
      %dma_start3A_57 = arith.constant 0 : i32
      %dma_start3A_58 = tpu.memref_slice %arg4[%add3A_56, %dma_start3A_57] : memref<204800x128xf32, #tpu.memory_space<hbm>> -> memref<128x128xf32, #tpu.memory_space<hbm>>
      %dma_start3A_59 = arith.constant 0 : i32
      %dma_start3A_60 = tpu.memref_slice %arg4[%add3A_56, %dma_start3A_59] : memref<204800x128xf32, #tpu.memory_space<hbm>> -> memref<128x128xf32, #tpu.memory_space<hbm>>
      tpu.enqueue_dma source(%arg7 : memref<128x128xf32, #tpu.memory_space<vmem>>) target(%dma_start3A_60 : memref<128x128xf32, #tpu.memory_space<hbm>>) target_semaphore(%arg11 : memref<!tpu.dma_semaphore, #tpu.memory_space<semaphore_mem>>)
      %add3A_61 = arith.constant 1 : i32
      %add3A_62 = arith.addi %mul3A_43, %add3A_61 : i32
      %dma_wait3A_63 = arith.constant 0 : i32
      %dma_wait3A_64 = tpu.memref_slice %arg6[%add3A_62, %dma_wait3A_63] : memref<50x128xi32, #tpu.memory_space<vmem>> -> memref<1x128xi32, #tpu.memory_space<vmem>>
      %dma_wait3A_65 = tpu.memref_squeeze %dma_wait3A_64 : memref<1x128xi32, #tpu.memory_space<vmem>> -> memref<128xi32, #tpu.memory_space<vmem>>
      %dma_wait3A_66 = arith.constant 0 : i32
      %dma_wait3A_67 = arith.constant 0 : i32
      %dma_wait3A_68 = tpu.memref_slice %arg3[%dma_wait3A_66, %dma_wait3A_67] : memref<100000x128xf32, #tpu.memory_space<hbm>> -> memref<100000x128xf32, #tpu.memory_space<hbm>>
      tpu.wait_indirect_dma semaphore(%arg10 : memref<!tpu.dma_semaphore, #tpu.memory_space<semaphore_mem>>) src(%dma_wait3A_68 : memref<100000x128xf32, #tpu.memory_space<hbm>>) dst(%arg8 : memref<128x128xf32, #tpu.memory_space<vmem>>)
      %add3A_69 = arith.constant 1 : i32
      %add3A_70 = arith.addi %mul3A_43, %add3A_69 : i32
      %mul3A_71 = arith.constant 128 : i32
      %mul3A_72 = arith.muli %add3A_70, %mul3A_71 : i32
      %add3A_73 = arith.addi %mul3A_2, %mul3A_72 : i32
      %dma_start3A_74 = arith.constant 0 : i32
      %dma_start3A_75 = tpu.memref_slice %arg4[%add3A_73, %dma_start3A_74] : memref<204800x128xf32, #tpu.memory_space<hbm>> -> memref<128x128xf32, #tpu.memory_space<hbm>>
      %dma_start3A_76 = arith.constant 0 : i32
      %dma_start3A_77 = tpu.memref_slice %arg4[%add3A_73, %dma_start3A_76] : memref<204800x128xf32, #tpu.memory_space<hbm>> -> memref<128x128xf32, #tpu.memory_space<hbm>>
      tpu.enqueue_dma source(%arg8 : memref<128x128xf32, #tpu.memory_space<vmem>>) target(%dma_start3A_77 : memref<128x128xf32, #tpu.memory_space<hbm>>) target_semaphore(%arg12 : memref<!tpu.dma_semaphore, #tpu.memory_space<semaphore_mem>>)
      %add3A_78 = arith.constant 1 : i32
      %add3A_79 = arith.addi %scan3A_40, %add3A_78 : i32
      %lt3A = arith.constant 25 : i32
      %lt3A_80 = arith.cmpi slt, %add3A_79, %lt3A : i32
      %convert_element_type3A = arith.extui %lt3A_80 : i1 to i32
      %cond3A = arith.constant 0 : i32
      %cond3A_81 = arith.cmpi ne, %convert_element_type3A, %cond3A : i32
      scf.if %cond3A_81 {
        %add3A_90 = arith.constant 0 : i32
        %add3A_91 = arith.addi %mul3A_43, %add3A_90 : i32
        %mul3A_92 = arith.constant 128 : i32
        %mul3A_93 = arith.muli %add3A_91, %mul3A_92 : i32
        %add3A_94 = arith.addi %mul3A_2, %mul3A_93 : i32
        %dma_wait3A_95 = arith.constant 0 : i32
        %dma_wait3A_96 = tpu.memref_slice %arg4[%add3A_94, %dma_wait3A_95] : memref<204800x128xf32, #tpu.memory_space<hbm>> -> memref<128x128xf32, #tpu.memory_space<hbm>>
        %dma_wait3A_97 = arith.constant 0 : i32
        %dma_wait3A_98 = tpu.memref_slice %arg4[%add3A_94, %dma_wait3A_97] : memref<204800x128xf32, #tpu.memory_space<hbm>> -> memref<128x128xf32, #tpu.memory_space<hbm>>
        tpu.wait_dma2 semaphore(%arg11 : memref<!tpu.dma_semaphore, #tpu.memory_space<semaphore_mem>>) src(%arg7 : memref<128x128xf32, #tpu.memory_space<vmem>>) dst(%dma_wait3A_98 : memref<128x128xf32, #tpu.memory_space<hbm>>)
        %add3A_99 = arith.constant 2 : i32
        %add3A_100 = arith.addi %mul3A_43, %add3A_99 : i32
        %add3A_101 = arith.constant 0 : i32
        %add3A_102 = arith.addi %add3A_100, %add3A_101 : i32
        %dma_start3A_103 = arith.constant 0 : i32
        %dma_start3A_104 = tpu.memref_slice %arg6[%add3A_102, %dma_start3A_103] : memref<50x128xi32, #tpu.memory_space<vmem>> -> memref<1x128xi32, #tpu.memory_space<vmem>>
        %dma_start3A_105 = tpu.memref_squeeze %dma_start3A_104 : memref<1x128xi32, #tpu.memory_space<vmem>> -> memref<128xi32, #tpu.memory_space<vmem>>
        %dma_start3A_106 = arith.constant 0 : i32
        %dma_start3A_107 = arith.constant 0 : i32
        %dma_start3A_108 = tpu.memref_slice %arg3[%dma_start3A_106, %dma_start3A_107] : memref<100000x128xf32, #tpu.memory_space<hbm>> -> memref<100000x128xf32, #tpu.memory_space<hbm>>
        tpu.enqueue_indirect_dma source(%dma_start3A_108 : memref<100000x128xf32, #tpu.memory_space<hbm>>) target(%arg7 : memref<128x128xf32, #tpu.memory_space<vmem>>) offsets(%dma_start3A_105 : memref<128xi32, #tpu.memory_space<vmem>>) semaphore(%arg9 : memref<!tpu.dma_semaphore, #tpu.memory_space<semaphore_mem>>)
      } else {
      }
      %add3A_82 = arith.constant 1 : i32
      %add3A_83 = arith.addi %scan3A_40, %add3A_82 : i32
      %lt3A_84 = arith.constant 25 : i32
      %lt3A_85 = arith.cmpi slt, %add3A_83, %lt3A_84 : i32
      %convert_element_type3A_86 = arith.extui %lt3A_85 : i1 to i32
      %cond3A_87 = arith.constant 0 : i32
      %cond3A_88 = arith.cmpi ne, %convert_element_type3A_86, %cond3A_87 : i32
      scf.if %cond3A_88 {
        %add3A_90 = arith.constant 1 : i32
        %add3A_91 = arith.addi %mul3A_43, %add3A_90 : i32
        %mul3A_92 = arith.constant 128 : i32
        %mul3A_93 = arith.muli %add3A_91, %mul3A_92 : i32
        %add3A_94 = arith.addi %mul3A_2, %mul3A_93 : i32
        %dma_wait3A_95 = arith.constant 0 : i32
        %dma_wait3A_96 = tpu.memref_slice %arg4[%add3A_94, %dma_wait3A_95] : memref<204800x128xf32, #tpu.memory_space<hbm>> -> memref<128x128xf32, #tpu.memory_space<hbm>>
        %dma_wait3A_97 = arith.constant 0 : i32
        %dma_wait3A_98 = tpu.memref_slice %arg4[%add3A_94, %dma_wait3A_97] : memref<204800x128xf32, #tpu.memory_space<hbm>> -> memref<128x128xf32, #tpu.memory_space<hbm>>
        tpu.wait_dma2 semaphore(%arg12 : memref<!tpu.dma_semaphore, #tpu.memory_space<semaphore_mem>>) src(%arg8 : memref<128x128xf32, #tpu.memory_space<vmem>>) dst(%dma_wait3A_98 : memref<128x128xf32, #tpu.memory_space<hbm>>)
        %add3A_99 = arith.constant 2 : i32
        %add3A_100 = arith.addi %mul3A_43, %add3A_99 : i32
        %add3A_101 = arith.constant 1 : i32
        %add3A_102 = arith.addi %add3A_100, %add3A_101 : i32
        %dma_start3A_103 = arith.constant 0 : i32
        %dma_start3A_104 = tpu.memref_slice %arg6[%add3A_102, %dma_start3A_103] : memref<50x128xi32, #tpu.memory_space<vmem>> -> memref<1x128xi32, #tpu.memory_space<vmem>>
        %dma_start3A_105 = tpu.memref_squeeze %dma_start3A_104 : memref<1x128xi32, #tpu.memory_space<vmem>> -> memref<128xi32, #tpu.memory_space<vmem>>
        %dma_start3A_106 = arith.constant 0 : i32
        %dma_start3A_107 = arith.constant 0 : i32
        %dma_start3A_108 = tpu.memref_slice %arg3[%dma_start3A_106, %dma_start3A_107] : memref<100000x128xf32, #tpu.memory_space<hbm>> -> memref<100000x128xf32, #tpu.memory_space<hbm>>
        tpu.enqueue_indirect_dma source(%dma_start3A_108 : memref<100000x128xf32, #tpu.memory_space<hbm>>) target(%arg8 : memref<128x128xf32, #tpu.memory_space<vmem>>) offsets(%dma_start3A_105 : memref<128xi32, #tpu.memory_space<vmem>>) semaphore(%arg10 : memref<!tpu.dma_semaphore, #tpu.memory_space<semaphore_mem>>)
      } else {
      }
      %scan3A_89 = arith.constant 0 : i32
      scf.yield %scan3A_89 : i32
    }
    %scan3A_28 = arith.constant 25 : i32
    %add3A_29 = arith.constant 6144 : i32
    %add3A_30 = arith.addi %mul3A_2, %add3A_29 : i32
    %dma_wait3A = arith.constant 0 : i32
    %dma_wait3A_31 = tpu.memref_slice %arg4[%add3A_30, %dma_wait3A] : memref<204800x128xf32, #tpu.memory_space<hbm>> -> memref<128x128xf32, #tpu.memory_space<hbm>>
    %dma_wait3A_32 = arith.constant 0 : i32
    %dma_wait3A_33 = tpu.memref_slice %arg4[%add3A_30, %dma_wait3A_32] : memref<204800x128xf32, #tpu.memory_space<hbm>> -> memref<128x128xf32, #tpu.memory_space<hbm>>
    tpu.wait_dma2 semaphore(%arg11 : memref<!tpu.dma_semaphore, #tpu.memory_space<semaphore_mem>>) src(%arg7 : memref<128x128xf32, #tpu.memory_space<vmem>>) dst(%dma_wait3A_33 : memref<128x128xf32, #tpu.memory_space<hbm>>)
    %add3A_34 = arith.constant 6272 : i32
    %add3A_35 = arith.addi %mul3A_2, %add3A_34 : i32
    %dma_wait3A_36 = arith.constant 0 : i32
    %dma_wait3A_37 = tpu.memref_slice %arg4[%add3A_35, %dma_wait3A_36] : memref<204800x128xf32, #tpu.memory_space<hbm>> -> memref<128x128xf32, #tpu.memory_space<hbm>>
    %dma_wait3A_38 = arith.constant 0 : i32
    %dma_wait3A_39 = tpu.memref_slice %arg4[%add3A_35, %dma_wait3A_38] : memref<204800x128xf32, #tpu.memory_space<hbm>> -> memref<128x128xf32, #tpu.memory_space<hbm>>
    tpu.wait_dma2 semaphore(%arg12 : memref<!tpu.dma_semaphore, #tpu.memory_space<semaphore_mem>>) src(%arg8 : memref<128x128xf32, #tpu.memory_space<vmem>>) dst(%dma_wait3A_39 : memref<128x128xf32, #tpu.memory_space<hbm>>)
    return
  }
}

</mosaic_0001>

<sc_bundles>
// kernel: kernel.3.cloned.1.call-start
scs
__scs_entry_jumppad:
0x0: {  	(pc) =	sbr.rel $0x88, $3  }
0x1: {  	(tag) =	ssettag $0x0;
	lr =	simm.s32 $0x1  }
0x2: {  	[smem:$0x3F9F] =	sst lr;
	_ =	strace $0xD0000000  }
0x3: {  	_ = 	snop  }
0x4: {  	_ = 	snop  }
0x5: {  	_ = 	snop  }
0x6: {  	_ = 	snop  }
0x7: {  	_ = 	snop  }
__scs_overlays_trampoline_lowered:
0x8: {  	[smem:$0x3FAE] =	sst s0  }
0x9: {  	[smem:$0x3FAF] =	sst s1  }
0xa: {  	[smem:$0x3FB0] =	sst s2  }
0xb: {  	[smem:$0x3FB1] =	sst s3  }
0xc: {  	[smem:$0x3FB2] =	sst s4  }
0xd: {  	[smem:$0x3FB3] =	sst s5  }
0xe: {  	[smem:$0x3FB4] =	sst s6  }
0xf: {  	[smem:$0x3FB5] =	sst s7  }
0x10: {  	[smem:$0x3FB6] =	sst s8  }
0x11: {  	[smem:$0x3FB7] =	sst s9;
	s0 =	simm.s32 @!p0 $0x0  }
0x12: {  	s1 =	sld [smem:$0x3F9D];
	s0 =	simm.s32 @p0 $0x1  }
0x13: {  	[smem:$0x3FB8] =	sst s0;
	s0 =	simm.s32 @!p1 $0x0  }
0x14: {  	s2 =	sld [smem:$0x3F9C];
	s0 =	simm.s32 @p1 $0x1  }
0x15: {  	[smem:$0x3FB9] =	sst s0;
	s0 =	simm.s32 @!p2 $0x0  }
0x16: {  	s3 =	sld [smem:$0x3FDB];
	s0 =	simm.s32 @p2 $0x1  }
0x17: {  	s4 =	simm.s32 $0x1BF5;
	[smem:$0x3FBB] =	sst s0  }
0x18: {  	s0 =	sld [smem:$0x3F9E];
	_ =	swait.ge [sflag:s4], $0x0  }
0x19: {  	s7 =	sld [smem:$0x3F9F]  }
0x1a: {  	s8 =	sadd.s32 $0xFFFFE003, lr  }
0x1b: {  	s9 =	sadd.s32 $0xFFFFFEF7, lr;
	s5 =	simm.s32 $0xFFFFFFFF;
	p2 =	slt.u32 s8, $0xFFFFF086  }
0x1c: {  	p1 =	slt.u32 s9, $0xF7A;
	s5 =	simm.s32 @!p2 $0x0  }
0x1d: {  	s5 =	simm.s32 @p1 $0x1;
	p0 =	seq.s32 s7, s2  }
0x1e: {  	s7 =	smul.u32 @!p0 $0xF7A, s2;
	p2 =	seq.s32 @!p0 s5, $0x0  }
0x1f: {  	s9 =	smul.u32 $0xF7A, s1;
	s8 =	simm.s32 @!p0 $0x1BF5;
	p2 =	por !p2, p0  }
0x20: {  	[sflag:s8] =	ssyncset.s32 @!p0 $0xFFFFF086;
	s6 =	sadd.s32 @!p0 s3, s7;
	s7 =	simm.s32 @!p0 $0x108  }
0x21: {  	s3 =	sadd.s32 s3, s9;
	s6 =	sadd.s32 @!p0 $0x88, s6;
	s7 =	simm.s32 @p2 $0x1082  }
0x22: {  	[simem:s7], [sflag:s8] =	dma.local @!p0 [hbm:s6], $0xF7A  }
0x23: {  	s9 =	sor.u32 $0xD0000000, s2;
	s6 =	simm.s32 $0x108;
	_ =	swait.ge @!p0 [sflag:s8], $0x0  }
0x24: {  	s3 =	sadd.s32 $0x88, s3;
	s6 =	simm.s32 @!p1 $0x1082;
	[sflag:s4] =	ssyncset.s32 $0xFFFFF086  }
0x25: {  	[simem:s6], [sflag:s4] =	dma.local [hbm:s3], $0xF7A  }
0x26: {  	[smem:$0x3F9F] =	sst s1;
	(tag) =	ssettag s2;
	_ =	strace s9  }
0x27: {  	s1 =	sld [smem:$0x3FAF]  }
0x28: {  	s2 =	sld [smem:$0x3FB0]  }
0x29: {  	s4 =	sld [smem:$0x3FB2]  }
0x2a: {  	p0 =	seq.s32 s5, $0x0;
	s5 =	sld [smem:$0x3FB3]  }
0x2b: {  	s6 =	sld [smem:$0x3FB4]  }
0x2c: {  	s7 =	sld [smem:$0x3FB5]  }
0x2d: {  	s3 =	simm.s32 $0x108;
	s8 =	sld [smem:$0x3FB6]  }
0x2e: {  	s3 =	simm.s32 @!p0 $0x1082;
	s9 =	sld [smem:$0x3FB7]  }
0x2f: {  	lr =	sadd.s32 s0, s3;
	s0 =	sld [smem:$0x3FAE]  }
0x30: {  	s3 =	sld [smem:$0x3FB1]  }
0x31: {  	[smem:$0x3FBA] =	sst s10  }
0x32: {  	s10 =	sld [smem:$0x3FB8];
	_ =	sdelay $0x3  }
0x33: {  	p0 =	seq.s32 s10, $0x1;
	s10 =	sld [smem:$0x3FBA];
	_ =	sdelay $0x3  }
0x34: {  	[smem:$0x3FBA] =	sst s10  }
0x35: {  	s10 =	sld [smem:$0x3FB9];
	_ =	sdelay $0x3  }
0x36: {  	p1 =	seq.s32 s10, $0x1;
	s10 =	sld [smem:$0x3FBA];
	_ =	sdelay $0x3  }
0x37: {  	[smem:$0x3FBA] =	sst s10  }
0x38: {  	s10 =	sld [smem:$0x3FBB]  }
0x39: {  	_ = 	snop;
	(pc) =	sbr.ind lr, $3  }
0x3a: {  	_ = 	snop  }
0x3b: {  	_ = 	snop  }
0x3c: {  	p2 =	seq.s32 s10, $0x1;
	s10 =	sld [smem:$0x3FBA]  }
0x3d: {  	_ =	shalt  }
0x3e: {  	_ =	shalt  }
0x3f: {  	_ =	shalt  }
0x40: {  	_ =	shalt  }
0x41: {  	_ =	shalt  }
0x42: {  	_ =	shalt  }
0x43: {  	_ =	shalt  }
0x44: {  	_ =	shalt  }
0x45: {  	_ =	shalt  }
0x46: {  	_ =	shalt  }
0x47: {  	_ =	shalt  }
0x48: {  	_ =	shalt  }
0x49: {  	_ =	shalt  }
0x4a: {  	_ =	shalt  }
0x4b: {  	_ =	shalt  }
0x4c: {  	_ =	shalt  }
0x4d: {  	_ =	shalt  }
0x4e: {  	_ =	shalt  }
0x4f: {  	_ =	shalt  }
0x50: {  	_ =	shalt  }
0x51: {  	_ =	shalt  }
0x52: {  	_ =	shalt  }
0x53: {  	_ =	shalt  }
0x54: {  	_ =	shalt  }
0x55: {  	_ =	shalt  }
0x56: {  	_ =	shalt  }
0x57: {  	_ =	shalt  }
0x58: {  	_ =	shalt  }
0x59: {  	_ =	shalt  }
0x5a: {  	_ =	shalt  }
0x5b: {  	_ =	shalt  }
0x5c: {  	_ =	shalt  }
0x5d: {  	_ =	shalt  }
0x5e: {  	_ =	shalt  }
0x5f: {  	_ =	shalt  }
0x60: {  	_ =	shalt  }
0x61: {  	_ =	shalt  }
0x62: {  	_ =	shalt  }
0x63: {  	_ =	shalt  }
0x64: {  	_ =	shalt  }
0x65: {  	_ =	shalt  }
0x66: {  	_ =	shalt  }
0x67: {  	_ =	shalt  }
0x68: {  	_ =	shalt  }
0x69: {  	_ =	shalt  }
0x6a: {  	_ =	shalt  }
0x6b: {  	_ =	shalt  }
0x6c: {  	_ =	shalt  }
0x6d: {  	_ =	shalt  }
0x6e: {  	_ =	shalt  }
0x6f: {  	_ =	shalt  }
0x70: {  	_ =	shalt  }
0x71: {  	_ =	shalt  }
0x72: {  	_ =	shalt  }
0x73: {  	_ =	shalt  }
0x74: {  	_ =	shalt  }
0x75: {  	_ =	shalt  }
0x76: {  	_ =	shalt  }
0x77: {  	_ =	shalt  }
0x78: {  	_ =	shalt  }
0x79: {  	_ =	shalt  }
0x7a: {  	_ =	shalt  }
0x7b: {  	_ =	shalt  }
0x7c: {  	_ =	shalt  }
0x7d: {  	_ =	shalt  }
0x7e: {  	_ =	shalt  }
0x7f: {  	_ =	shalt  }
0x80: {  	_ =	shalt  }
0x81: {  	_ =	shalt  }
0x82: {  	_ =	shalt  }
0x83: {  	_ =	shalt  }
0x84: {  	_ =	shalt  }
0x85: {  	_ =	shalt  }
0x86: {  	_ =	shalt  }
0x87: {  	_ =	shalt  }
.Lfunc_end0:
.L_simem_size_0:
called_computation.1_lowered:
.L_overlay_start_0:
0x88: {  	s2 =	sld [smem:$0x3FD9]  }
0x89: {  	s3 =	sld [smem:$0x3FFE];
	_ =	sdelay $0x1  }
0x8a: {  	s1 =	srdreg.scid  }
0x8b: {  	s0 =	sand.u32 $0x1, s1  }
0x8c: {  	s17 =	sshll.u32 s0, $0xA;
	s2 =	sadd.s32 s3, s2  }
0x8d: {  	s2 =	sadd.s32 s2, s17  }
0x8e: {  	[smem:$0x3FC6] =	sst s2  }
0x8f: {  	_ = 	snop  }
0x90: {  	s2 =	sld [smem:$0x3FC8]  }
0x91: {  	s18 =	sld [smem:$0x3FD0];
	(tm) =	ssettm $0x1  }
0x92: {  	s4 =	sld [smem:$0x3FFB];
	_ =	sdelay $0x3  }
0x93: {  	_ =	strace s4  }
0x94: {  	s4 =	sld [smem:$0x3FFC];
	_ =	sdelay $0x3  }
0x95: {  	_ =	strace s4  }
0x96: {  	s4 =	sld [smem:$0x3FFD];
	_ =	sdelay $0x3  }
0x97: {  	_ =	strace s4  }
0x98: {  	_ =	strace $0x8FFFFFFF  }
0x99: {  	s19 =	sld [smem:$0x3FDB];
	_ =	sdelay $0x1  }
0x9a: {  	s5 =	simm.s32 $_scs_section_size  }
0x9b: {  	s6 =	simm.s32 $_size__tile_overlayer_lowered;
	s7 =	simm.s32 $_tile_overlayer_lowered  }
0x9c: {  	s22 =	simm.s32 $0x1BFF;
	s21 =	sshll.u32 s7, $0x1;
	s4 =	sadd.s32 s5, s19  }
0x9d: {  	s8 =	simm.s32 $0x0;
	s20 =	sshll.u32 s6, $0x1;
	s6 =	sadd.s32 s21, s4  }
0x9e: {  	[timem:s8], [sflag:s22] =	dma.local [hbm:s6], s20  }
0x9f: {  	_ =	swait.ge [sflag:s22], s20  }
0xa0: {  	s5 =	ssub.s32 $0x0, s20;
	[sflag:s22] =	ssyncset.done $0x0  }
0xa1: {  	[sflag:s22] =	ssyncadd.s32 s5;
	_ =	sdelay $0x1  }
0xa2: {  	s23 =	simm.s32 $0x1B8B  }
0xa3: {  	_ =	swait.ge [sflag:s23], $0x1  }
0xa4: {  	[sflag:s23] =	ssyncset.done $0x0  }
0xa5: {  	s25 =	simm.s32 $0x1B8E;
	s24 =	sld [smem:$0x3FFE];
	[sflag:s23] =	ssyncadd.s32 $0xFFFFFFFF  }
0xa6: {  	s26 =	simm.s32 $execute0_lowered;
	[smem:$0x3FD2] =	sst s25  }
0xa7: {  	s6 =	sshll.u32 s26, $0x1;
	_ =	strace $0x80000046;
	[dreg:$0x1] =	wrdreg $0xFFFFFFFF  }
0xa8: {  	s28 =	simm.s32 $_size_execute0_lowered;
	s4 =	sadd.s32 s4, s6;
	[dreg:$0x0] =	wrdreg $0x0  }
0xa9: {  	s6 =	sshll.u32 s28, $0x1;
	[dreg:$0x2] =	wrdreg s4  }
0xaa: {  	[dreg:$0x3] =	wrdreg s6  }
0xab: {  	[dreg:$0x4] =	wrdreg $0xC0  }
0xac: {  	_ =	task [dreg:s8], $0x5FFFF  }
0xad: {  	[dreg:$0x1] =	wrdreg $0xFFFFFFFF  }
0xae: {  	[dreg:$0x0] =	wrdreg $0x60  }
0xaf: {  	[dreg:$0x2] =	wrdreg s24  }
0xb0: {  	[dreg:$0x3] =	wrdreg s2  }
0xb1: {  	[dreg:$0x4] =	wrdreg s18  }
0xb2: {  	[dreg:$0x5] =	wrdreg $0x9  }
0xb3: {  	_ =	task.clear_ibuf [dreg:s8], $0x6FFFF;
	_ =	strace $0x90000046  }
0xb4: {  	s29 =	simm.s32 $0x9;
	_ =	strace $0x80000048  }
0xb5: {  	_ =	swait.ge [sflag:s29], $0x1  }
0xb6: {  	[sflag:s29] =	ssyncadd.s32 $0xFFFFFFFF  }
0xb7: {  	_ =	strace $0x90000048  }
0xb8: {  	_ =	sfence  }
0xb9: {  	s30 =	sld [smem:$0x0];
	_ =	sdelay $0x2  }
0xba: {  	s31 =	sshll.u32 s1, $0xD;
	s1 =	sshrl.u32 s1, $0x2  }
0xbb: {  	s3 =	sand.u32 $0x4000, s31;
	s1 =	sadd.s32 s1, s30  }
0xbc: {  	s0 =	sor.u32 s3, s0;
	s1 =	sshll.u32 s1, $0x11  }
0xbd: {  	s0 =	sor.u32 s1, s0  }
0xbe: {  	s0 =	sadd.s32 $0x8F2B, s0  }
0xbf: {  	[sflag:s0] =	ssyncadd.remote.s32 $0x1  }
0xc0: {  	_ =	sfence.sel $0xFFFF  }
0xc1: {  	[dreg:$0x0] =	wrdreg $0xFFFFFFFF;
	(pc) =	sbr.abs _section_cstart, $3  }
0xc2: {  	[dreg:$0x1] =	wrdreg $0xFFFFFFFF  }
0xc3: {  	_ =	task.clear_ibuf [dreg:s8], $0x2FFFF;
	_ =	strace $0x9FFFFFFF  }
0xc4: {  	(tm) =	ssettm $0x7FFFFFFF  }
0xc5: {  	_ =	shalt  }
tec
execute0_lowered:
.L_overlay_start_1:
0x0: {  	(tag) =	ssettag $0x1  }
0x1: {  	s4 =	rddreg [dreg:$0x0]  }
0x2: {  	s1 =	srdreg.scid;
	s2 =	rddreg [dreg:$0x1]  }
0x3: {  	s0 =	stileid.u32;
	s9 =	rddreg [dreg:$0x2]  }
0x4: {  	s3 =	simm.s32 $0x0;
	s14 =	simm.s32 $0x1980;
	s15 =	simm.s32 $0x7500  }
0x5: {  	s16 =	simm.s32 $0x1;
	s17 =	simm.s32 $0x2;
	s11 =	smul.u32 $0x32000, s0  }
0x6: {  	s18 =	simm.s32 $0x3;
	s5 =	sand.u32 $0x1, s1;
	s28 =	smul.u32 $0x190000, s0  }
0x7: {  	s19 =	simm.s32 $0x4;
	s23 =	sshll.u32 s0, $0x1;
	s12 =	smul.u32 $0x19000, s5  }
0x8: {  	s1 =	rddreg [dreg:$0x3];
	s6 =	sor.u32 s5, s23;
	s13 =	smul.u32 $0xC8000, s5  }
0x9: {  	s20 =	simm.s32 $0x0;
	[smem:$0x7FF] =	sst s3;
	s7 =	smul.u32 $0x320, s6  }
0xa: {  	_ =	strace $0x80000047;
	s24 =	ssub.s32 $0x2, s5;
	s8 =	smul.u32 $0xC8000, s6  }
0xb: {  	s10 =	smul.u32 $0x19000, s6;
	s25 =	sshrl.u32 s24, $0x1;
	s29 =	sadd.s32 s11, s9  }
0xc: {  	s6 =	ssub.s32 s24, s25;
	s11 =	sadd.s32 s12, s29;
	s30 =	sadd.s32 s13, s28  }
0xd: {  	s12 =	simm.s32 $0x1900;
	s13 =	simm.s32 $0x3500;
	s4 =	sadd.s32 s7, s4  }
0xe: {  	s26 =	sshrl.u32 s8, $0x3;
	s5 =	smax.u32 s6, $0x1;
	s10 =	sadd.s32 s10, s9  }
0xf: {  	s8 =	sadd.s32 $0x800, s11;
	s31 =	sshrl.u32 s30, $0x3;
	s11 =	simm.s32 $0x80  }
0x10: {  	s4 =	sadd.s32 $0x800, s4;
	s7 =	sadd.s32 s9, s26;
	s9 =	sadd.s32 s31, s9  }
0x11: {  	s6 =	sadd.s32 $0x18000, s7;
	s7 =	sadd.s32 $0x18800, s10;
	s10 =	simm.s32 $0x5  }
.LBB2_1:
0x12: {  	[tilespmem:s3], [sflag:$0x5] =	stream.linear.gather [hbm4b:s4+s3], $0x1900, $0x38;
	[tilespmem:$0xB500] =	vst v63  }
0x13: {  	_ =	swait.ge [sflag:s10], $0x1900  }
0x14: {  	[sflag:s10] =	ssyncset.done $0x0  }
0x15: {  	s21 =	simm.s32 $0x0;
	[sflag:s10] =	ssyncadd.s32 $0xFFFFE700  }
0x16: {  	v0 =	vld [tilespmem:s21+$0x70]  }
0x17: {  	v1 =	vld [tilespmem:s21+$0x0]  }
0x18: {  	v2 =	vld [tilespmem:s21+$0x10]  }
0x19: {  	v3 =	vld [tilespmem:s21+$0x20]  }
0x1a: {  	v4 =	vld [tilespmem:s21+$0x30]  }
0x1b: {  	v6 =	vld [tilespmem:s21+$0x40]  }
0x1c: {  	v7 =	vld [tilespmem:s21+$0x50]  }
0x1d: {  	v0 =	vmul.f32 $9.999900000e+04, v0;
	v1 =	vmul.f32 $9.999900000e+04, v1  }
0x1e: {  	v8 =	vmul.f32 $9.999900000e+04, v2;
	v3 =	vmul.f32 $9.999900000e+04, v3;
	v2 =	vld [tilespmem:s21+$0x60]  }
0x1f: {  	v5 =	vmul.f32 $9.999900000e+04, v4;
	v0 =	vtrunc.f32 v0  }
0x20: {  	v4 =	vmul.f32 $9.999900000e+04, v6;
	v9 =	vcvt.f32.s32 v0  }
0x21: {  	v6 =	vmul.f32 $9.999900000e+04, v7;
	v1 =	vtrunc.f32 v1  }
0x22: {  	s22 =	simm.s32 $0x80;
	s23 =	simm.s32 $0x400;
	v3 =	vtrunc.f32 v3;
	v0 =	vtrunc.f32 v8;
	[tilespmem:s21+$0x1970] =	vst v9  }
.LBB2_2:
0x23: {  	p0 =	sne.s32 s23, $0x6200;
	v7 =	vld [tilespmem:s22+$0x70];
	v5 =	vtrunc.f32 v5;
	v2 =	vmul.f32 $9.999900000e+04, v2  }
0x24: {  	v4 =	vtrunc.f32 v4;
	v8 =	vld [tilespmem:s22+$0x0];
	v6 =	vtrunc.f32 v6  }
0x25: {  	v1 =	vcvt.f32.s32 v1;
	v9 =	vld [tilespmem:s22+$0x10];
	v2 =	vtrunc.f32 v2  }
0x26: {  	v0 =	vcvt.f32.s32 v0;
	v3 =	vcvt.f32.s32 v3;
	v10 =	vld [tilespmem:s22+$0x20]  }
0x27: {  	v4 =	vcvt.f32.s32 v4;
	v11 =	vld [tilespmem:s22+$0x30];
	[tilespmem:s21+$0x1900] =	vst v1;
	v1 =	vcvt.f32.s32 v5  }
0x28: {  	v12 =	vld [tilespmem:s22+$0x40];
	v5 =	vmul.f32 $9.999900000e+04, v7;
	[tilespmem:s21+$0x1910] =	vst v0;
	v0 =	vcvt.f32.s32 v6  }
0x29: {  	v6 =	vmul.f32 $9.999900000e+04, v8;
	v7 =	vld [tilespmem:s22+$0x50];
	[tilespmem:s21+$0x1920] =	vst v3;
	v8 =	vcvt.f32.s32 v2  }
.Ltmp0:
0x2a: {  	v3 =	vmul.f32 $9.999900000e+04, v9;
	v2 =	vld [tilespmem:s22+$0x60];
	v5 =	vtrunc.f32 v5;
	[tilespmem:s21+$0x1930] =	vst v1;
	(pc) =	sbr.rel @p0 .LBB2_2-.Ltmp0, $4  }
0x2b: {  	v9 =	vmul.f32 $9.999900000e+04, v10;
	v10 =	vcvt.f32.s32 v5;
	[tilespmem:s21+$0x1940] =	vst v4  }
0x2c: {  	v1 =	vtrunc.f32 v6;
	v5 =	vmul.f32 $9.999900000e+04, v11;
	[tilespmem:s21+$0x1950] =	vst v0  }
0x2d: {  	v0 =	vtrunc.f32 v3;
	v4 =	vmul.f32 $9.999900000e+04, v12;
	[tilespmem:s22+$0x1970] =	vst v10  }
0x2e: {  	v3 =	vtrunc.f32 v9;
	v6 =	vmul.f32 $9.999900000e+04, v7;
	[tilespmem:s21+$0x1960] =	vst v8;
	s21 =	smov.u32 s22;
	s22 =	sshra.s32 s23, $0x2;
	s23 =	sadd.s32 $0x200, s23  }
0x2f: {  	v7 =	vld [tilespmem:s22+$0x70]  }
0x30: {  	v8 =	vld [tilespmem:s22+$0x0];
	v5 =	vtrunc.f32 v5  }
0x31: {  	v9 =	vld [tilespmem:s22+$0x10];
	v2 =	vmul.f32 $9.999900000e+04, v2;
	v1 =	vcvt.f32.s32 v1  }
0x32: {  	v10 =	vld [tilespmem:s22+$0x20];
	v4 =	vtrunc.f32 v4;
	v0 =	vcvt.f32.s32 v0  }
0x33: {  	v11 =	vld [tilespmem:s22+$0x30];
	v45 =	vcvt.f32.s32 v3;
	v6 =	vtrunc.f32 v6  }
0x34: {  	v46 =	vcvt.f32.s32 v5;
	v4 =	vcvt.f32.s32 v4  }
0x35: {  	v2 =	vtrunc.f32 v2;
	v48 =	vcvt.f32.s32 v6  }
0x36: {  	[tilespmem:s21+$0x1900] =	vst v1;
	v51 =	vcvt.f32.s32 v2;
	v7 =	vmul.f32 $9.999900000e+04, v7  }
0x37: {  	v47 =	vld [tilespmem:s22+$0x40];
	[tilespmem:s21+$0x1910] =	vst v0;
	v49 =	vmul.f32 $9.999900000e+04, v8;
	v52 =	vmul.f32 $9.999900000e+04, v9  }
0x38: {  	v50 =	vld [tilespmem:s22+$0x50];
	[tilespmem:s21+$0x1920] =	vst v45;
	v10 =	vmul.f32 $9.999900000e+04, v10;
	v55 =	vmul.f32 $9.999900000e+04, v11  }
0x39: {  	v53 =	vld [tilespmem:s22+$0x60];
	[tilespmem:s21+$0x1930] =	vst v46;
	v7 =	vtrunc.f32 v7;
	v6 =	vtrunc.f32 v49  }
0x3a: {  	[tilespmem:s21+$0x1940] =	vst v4;
	v2 =	vtrunc.f32 v52;
	v54 =	vcvt.f32.s32 v7  }
0x3b: {  	[tilespmem:s21+$0x1950] =	vst v48;
	v57 =	vtrunc.f32 v10;
	v59 =	vtrunc.f32 v55  }
0x3c: {  	v56 =	vmul.f32 $9.999900000e+04, v47;
	v6 =	vcvt.f32.s32 v6;
	[tilespmem:s22+$0x1970] =	vst v54  }
0x3d: {  	v2 =	vcvt.f32.s32 v2;
	v5 =	vcvt.f32.s32 v57;
	[tilespmem:s21+$0x1960] =	vst v51  }
0x3e: {  	v1 =	vcvt.f32.s32 v59;
	v58 =	vmul.f32 $9.999900000e+04, v50;
	[tilespmem:s22+$0x1900] =	vst v6  }
0x3f: {  	v60 =	vmul.f32 $9.999900000e+04, v53;
	v0 =	vtrunc.f32 v56;
	[tilespmem:s22+$0x1910] =	vst v2  }
0x40: {  	v61 =	vtrunc.f32 v58;
	v0 =	vcvt.f32.s32 v0;
	[tilespmem:s22+$0x1920] =	vst v5  }
0x41: {  	v62 =	vtrunc.f32 v60;
	v2 =	vcvt.f32.s32 v61;
	[tilespmem:s22+$0x1930] =	vst v1  }
0x42: {  	v63 =	vcvt.f32.s32 v62;
	[tilespmem:s22+$0x1940] =	vst v0  }
0x43: {  	[tilespmem:s22+$0x1950] =	vst v2  }
0x44: {  	[tilespmem:s22+$0x1960] =	vst v63  }
0x45: {  	[tilespmem:s13], [sflag:$0x1] =	stream.indirect.gather [hbm4b:s2+s11], $0x80, s12, s11, $0xb8;
	[tilespmem:$0xB500] =	vst v63  }
0x46: {  	_ = 	snop  }
0x47: {  	[tilespmem:s15], [sflag:$0x2] =	stream.indirect.gather [hbm4b:s2+s11], $0x80, s14, s11, $0xb8;
	[tilespmem:$0xB500] =	vst v63  }
0x48: {  	_ =	swait.ge [sflag:s16], $0x4000  }
0x49: {  	[sflag:s16] =	ssyncset.done $0x0  }
0x4a: {  	s29 =	sadd.s32 $0x0, s9;
	[sflag:s16] =	ssyncadd.s32 $0xFFFFC000  }
0x4b: {  	[hbm4b:s29+s3] =	stream.linear.scatter [tilespmem:s13], [sflag:$0x3], $0x4000, $0x38;
	[tilespmem:$0xB500] =	vst v63  }
0x4c: {  	_ =	swait.ge [sflag:s17], $0x4000  }
0x4d: {  	[sflag:s17] =	ssyncset.done $0x0  }
0x4e: {  	s30 =	sadd.s32 $0x0, s8;
	[sflag:s17] =	ssyncadd.s32 $0xFFFFC000  }
0x4f: {  	[hbm4b:s30+s3] =	stream.linear.scatter [tilespmem:s15], [sflag:$0x4], $0x4000, $0x38;
	[tilespmem:$0xB500] =	vst v63  }
0x50: {  	_ =	swait.ge [sflag:s18], $0x4000  }
0x51: {  	[sflag:s18] =	ssyncset.done $0x0  }
0x52: {  	s31 =	simm.s32 $0x1A00;
	[sflag:s18] =	ssyncadd.s32 $0xFFFFC000  }
0x53: {  	[tilespmem:s13], [sflag:$0x1] =	stream.indirect.gather [hbm4b:s2+s11], $0x80, s31, s11, $0xb8;
	[tilespmem:$0xB500] =	vst v63  }
0x54: {  	_ =	swait.ge [sflag:s19], $0x4000  }
0x55: {  	s23 =	simm.s32 $0x1B80;
	[sflag:s19] =	ssyncset.done $0x0  }
0x56: {  	s21 =	simm.s32 $0x1A80;
	s22 =	simm.s32 $0x1000;
	[sflag:s19] =	ssyncadd.s32 $0xFFFFC000  }
.LBB2_4:
0x57: {  	[tilespmem:s15], [sflag:$0x2] =	stream.indirect.gather [hbm4b:s2+s11], $0x80, s21, s11, $0xb8;
	[tilespmem:$0xB500] =	vst v63  }
0x58: {  	s24 =	smov.u32 s22;
	s21 =	smov.u32 s23  }
0x59: {  	p0 =	sne.s32 s22, $0x17000;
	s22 =	sadd.s32 $0x1000, s22;
	_ =	swait.ge [sflag:s16], $0x4000  }
0x5a: {  	[sflag:s16] =	ssyncset.done $0x0  }
0x5b: {  	s25 =	sadd.s32 s24, s9;
	[sflag:s16] =	ssyncadd.s32 $0xFFFFC000  }
0x5c: {  	[hbm4b:s25+s3] =	stream.linear.scatter [tilespmem:s13], [sflag:$0x3], $0x4000, $0x38;
	[tilespmem:$0xB500] =	vst v63  }
0x5d: {  	_ =	swait.ge [sflag:s17], $0x4000  }
0x5e: {  	[sflag:s17] =	ssyncset.done $0x0  }
0x5f: {  	s24 =	sadd.s32 s24, s8;
	[sflag:s17] =	ssyncadd.s32 $0xFFFFC000  }
0x60: {  	[hbm4b:s24+s3] =	stream.linear.scatter [tilespmem:s15], [sflag:$0x4], $0x4000, $0x38;
	[tilespmem:$0xB500] =	vst v63  }
0x61: {  	_ =	swait.ge [sflag:s18], $0x4000  }
0x62: {  	[sflag:s18] =	ssyncset.done $0x0  }
.Ltmp1:
0x63: {  	s24 =	sadd.s32 $0xFFFFFF80, s23;
	[sflag:s18] =	ssyncadd.s32 $0xFFFFC000;
	(pc) =	sbr.rel @p0 .LBB2_4-.Ltmp1, $4  }
0x64: {  	[tilespmem:s13], [sflag:$0x1] =	stream.indirect.gather [hbm4b:s2+s11], $0x80, s24, s11, $0xb8;
	[tilespmem:$0xB500] =	vst v63  }
0x65: {  	_ =	swait.ge [sflag:s19], $0x4000  }
0x66: {  	[sflag:s19] =	ssyncset.done $0x0  }
0x67: {  	s23 =	sadd.s32 $0x100, s23;
	[sflag:s19] =	ssyncadd.s32 $0xFFFFC000  }
0x68: {  	[tilespmem:s15], [sflag:$0x2] =	stream.indirect.gather [hbm4b:s2+s11], $0x80, s21, s11, $0xb8;
	[tilespmem:$0xB500] =	vst v63  }
0x69: {  	_ =	swait.ge [sflag:s16], $0x4000  }
0x6a: {  	[sflag:s16] =	ssyncset.done $0x0  }
0x6b: {  	[sflag:s16] =	ssyncadd.s32 $0xFFFFC000  }
0x6c: {  	[hbm4b:s6+s3] =	stream.linear.scatter [tilespmem:s13], [sflag:$0x3], $0x4000, $0x38;
	[tilespmem:$0xB500] =	vst v63  }
0x6d: {  	_ =	swait.ge [sflag:s17], $0x4000  }
0x6e: {  	[sflag:s17] =	ssyncset.done $0x0  }
0x6f: {  	s20 =	sadd.s32 $0x1, s20;
	[sflag:s17] =	ssyncadd.s32 $0xFFFFC000  }
0x70: {  	[hbm4b:s7+s3] =	stream.linear.scatter [tilespmem:s15], [sflag:$0x4], $0x4000, $0x38;
	[tilespmem:$0xB500] =	vst v63  }
0x71: {  	p0 =	sne.s32 s20, s5;
	_ =	swait.ge [sflag:s18], $0x4000  }
.Ltmp2:
0x72: {  	[sflag:s18] =	ssyncset.done $0x0;
	(pc) =	sbr.rel @p0 .LBB2_1-.Ltmp2, $4  }
0x73: {  	[sflag:s18] =	ssyncadd.s32 $0xFFFFC000  }
0x74: {  	_ =	swait.ge [sflag:s19], $0x4000  }
0x75: {  	[sflag:s19] =	ssyncset.done $0x0  }
0x76: {  	[sflag:s19] =	ssyncadd.s32 $0xFFFFC000  }
0x77: {  	_ =	sfence.sel $0x180000  }
0x78: {  	[bflag:$0x0] =	sbarrier.arrive $0xFFFF  }
0x79: {  	p0 =	sne.s32 s0, $0x0;
	_ =	strace $0x90000047  }
0x7a: {  	s0 =	sadd.s32 @!p0 $0x100000, s1;
	[bflag:$0x2] =	sbarrier.arrive $0xFFFF  }
0x7b: {  	[sflag:s0] =	ssyncadd.tile.s32 @!p0 $0x1;
	_ =	shalt  }
.Lfunc_end2:
_tile_overlayer_lowered:
.L_overlay_start_2:
0x7c: {  	(tag) =	ssettag $0x2  }
0x7d: {  	s0 =	rddreg [dreg:$0x0];
	s2 =	stileid.u32  }
0x7e: {  	s1 =	rddreg [dreg:$0x1];
	p0 =	sne.s32 s2, $0x0  }
0x7f: {  	s3 =	rddreg [dreg:$0x2];
	[bflag:$0x3] =	sbarrier.arrive $0xFFFF;
	s2 =	simm.s32 @!p0 $0x1C05  }
0x80: {  	[timem:s3], [sflag:s2] =	dma.local @!p0 [hbm:s0], s1  }
0x81: {  	s0 =	simm.s32 @!p0 $0x5  }
0x82: {  	_ =	swait.ge @!p0 [sflag:s0], s1  }
0x83: {  	s1 =	ssub.s32 @!p0 $0x0, s1;
	[sflag:s0] =	ssyncset.done @!p0 $0x0  }
0x84: {  	[sflag:s0] =	ssyncadd.s32 @!p0 s1  }
0x85: {  	[bflag:$0x3] =	sbarrier.arrive $0xFFFF  }
0x86: {  	_ =	shalt  }

// kernel: sparse-core-data-format-call.cloned.1.call-start
scs
called_computation_lowered:
.L_overlay_start_0:
0x0: {  	s2 =	sld [smem:$0x3FD9]  }
0x1: {  	s3 =	sld [smem:$0x3FFE];
	_ =	sdelay $0x1  }
0x2: {  	s1 =	srdreg.scid  }
0x3: {  	s0 =	sand.u32 $0x1, s1  }
0x4: {  	s18 =	sshll.u32 s0, $0xA;
	s2 =	sadd.s32 s3, s2  }
0x5: {  	s2 =	sadd.s32 s2, s18  }
0x6: {  	[smem:$0x3FC6] =	sst s2  }
0x7: {  	_ = 	snop  }
0x8: {  	s2 =	sld [smem:$0x3FD0];
	(tm) =	ssettm $0x1  }
0x9: {  	s19 =	sld [smem:$0x3FFB];
	_ =	sdelay $0x3  }
0xa: {  	_ =	strace s19  }
0xb: {  	s3 =	sld [smem:$0x3FFC];
	_ =	sdelay $0x3  }
0xc: {  	_ =	strace s3  }
0xd: {  	s3 =	sld [smem:$0x3FFD];
	_ =	sdelay $0x3  }
0xe: {  	_ =	strace s3  }
0xf: {  	_ =	strace $0x8FFFFFFF  }
0x10: {  	s20 =	sld [smem:$0x3FDB];
	_ =	sdelay $0x1  }
0x11: {  	s4 =	simm.s32 $_scs_section_size  }
0x12: {  	s5 =	simm.s32 $_size__tile_overlayer_lowered;
	s6 =	simm.s32 $_tile_overlayer_lowered  }
0x13: {  	s23 =	simm.s32 $0x1BFF;
	s22 =	sshll.u32 s6, $0x1;
	s3 =	sadd.s32 s4, s20  }
0x14: {  	s7 =	simm.s32 $0x0;
	s21 =	sshll.u32 s5, $0x1;
	s5 =	sadd.s32 s22, s3  }
0x15: {  	[timem:s7], [sflag:s23] =	dma.local [hbm:s5], s21  }
0x16: {  	_ =	swait.ge [sflag:s23], s21  }
0x17: {  	s4 =	ssub.s32 $0x0, s21;
	[sflag:s23] =	ssyncset.done $0x0  }
0x18: {  	[sflag:s23] =	ssyncadd.s32 s4;
	_ =	sdelay $0x1  }
0x19: {  	s24 =	simm.s32 $0x1B8B  }
0x1a: {  	_ =	swait.ge [sflag:s24], $0x1  }
0x1b: {  	[sflag:s24] =	ssyncset.done $0x0  }
0x1c: {  	s26 =	simm.s32 $0x1B8E;
	s25 =	sld [smem:$0x3FFE];
	[sflag:s24] =	ssyncadd.s32 $0xFFFFFFFF  }
0x1d: {  	s27 =	simm.s32 $execute0_lowered;
	[smem:$0x3FD2] =	sst s26  }
0x1e: {  	s5 =	sshll.u32 s27, $0x1;
	_ =	strace $0x80000049;
	[dreg:$0x1] =	wrdreg $0xFFFFFFFF  }
0x1f: {  	s28 =	simm.s32 $_size_execute0_lowered;
	s3 =	sadd.s32 s3, s5;
	[dreg:$0x0] =	wrdreg $0x0  }
0x20: {  	s5 =	sshll.u32 s28, $0x1;
	[dreg:$0x2] =	wrdreg s3  }
0x21: {  	[dreg:$0x3] =	wrdreg s5  }
0x22: {  	[dreg:$0x4] =	wrdreg $0xC0  }
0x23: {  	_ =	task [dreg:s7], $0x5FFFF  }
0x24: {  	[dreg:$0x1] =	wrdreg $0xFFFFFFFF  }
0x25: {  	[dreg:$0x0] =	wrdreg $0x60  }
0x26: {  	[dreg:$0x2] =	wrdreg s25  }
0x27: {  	[dreg:$0x3] =	wrdreg s2  }
0x28: {  	[dreg:$0x4] =	wrdreg $0x9  }
0x29: {  	_ =	task.clear_ibuf [dreg:s7], $0x5FFFF;
	_ =	strace $0x90000049  }
0x2a: {  	s29 =	simm.s32 $0x9;
	_ =	strace $0x8000004B  }
0x2b: {  	_ =	swait.ge [sflag:s29], $0x1  }
0x2c: {  	[sflag:s29] =	ssyncadd.s32 $0xFFFFFFFF  }
0x2d: {  	_ =	strace $0x9000004B  }
0x2e: {  	_ =	sfence  }
0x2f: {  	s30 =	sld [smem:$0x0];
	_ =	sdelay $0x2  }
0x30: {  	s31 =	sshll.u32 s1, $0xD;
	s1 =	sshrl.u32 s1, $0x2  }
0x31: {  	s3 =	sand.u32 $0x4000, s31;
	s1 =	sadd.s32 s1, s30  }
0x32: {  	s0 =	sor.u32 s3, s0;
	s1 =	sshll.u32 s1, $0x11  }
0x33: {  	s0 =	sor.u32 s1, s0  }
0x34: {  	s0 =	sadd.s32 $0x8F2B, s0  }
0x35: {  	[sflag:s0] =	ssyncadd.remote.s32 $0x1  }
0x36: {  	_ =	sfence.sel $0xFFFF  }
0x37: {  	[dreg:$0x0] =	wrdreg $0xFFFFFFFF;
	(pc) =	sbr.abs _section_cstart, $3  }
0x38: {  	[dreg:$0x1] =	wrdreg $0xFFFFFFFF  }
0x39: {  	_ =	task.clear_ibuf [dreg:s7], $0x2FFFF;
	_ =	strace $0x9FFFFFFF  }
0x3a: {  	(tm) =	ssettm $0x7FFFFFFF  }
0x3b: {  	_ =	shalt  }
tec
execute0_lowered:
.L_overlay_start_1:
0x0: {  	(tag) =	ssettag $0x1  }
0x1: {  	s0 =	srdreg.scid  }
0x2: {  	s1 =	sshll.u32 s0, $0x4  }
0x3: {  	s0 =	stileid.u32;
	s1 =	sand.u32 $0x10, s1  }
0x4: {  	s1 =	sor.u32 s0, s1  }
0x5: {  	s6 =	rddreg [dreg:$0x0];
	s4 =	simm.s32 $0x1;
	s2 =	sshll.u32 s1, $0x6  }
0x6: {  	s7 =	simm.s32 $0x2;
	s13 =	simm.s32 $0x0;
	s1 =	ssub.s32 $0x1000, s2  }
0x7: {  	s8 =	simm.s32 $0x2000;
	s9 =	simm.s32 $0x80000;
	s3 =	sand.u32 $0x7C0, s1  }
0x8: {  	s14 =	simm.s32 $0x0;
	s5 =	sshrl.u32 s1, $0xB;
	p0 =	sne.s32 s3, $0x0  }
.Ltmp0:
0x9: {  	s1 =	rddreg [dreg:$0x2];
	s4 =	simm.s32 @!p0 $0x0;
	(pc) =	sbr.rel .LBB1_1-.Ltmp0, $4  }
0xa: {  	s10 =	simm.s32 $0x0;
	s3 =	rddreg [dreg:$0x1];
	s5 =	sadd.s32 s4, s5  }
0xb: {  	_ =	strace $0x8000004A;
	s4 =	simm.s32 $0x1;
	s5 =	smul.u32 $0x19, s5  }
0xc: {  	s12 =	simm.s32 $0x0;
	s6 =	sadd.s32 $0x800, s6;
	[sflag:s4] =	ssyncpa.u1 $0x0  }
0xd: {  	s11 =	smov.u32 s2;
	[sflag:s7] =	ssyncpa.u1 $0x0;
	s7 =	sadd.s32 $0x1, s5  }
.LBB1_7:
0xe: {  	s15 =	sadd.s32 $0x2, s10  }
0xf: {  	s13 =	sadd.s32 $0x800, s11;
	s17 =	smov.u32 s11;
	p1 =	sgt.s32 s15, $0x31  }
0x10: {  	s17 =	smov.u32 @p1 s13  }
0x11: {  	s15 =	simm.s32 @p1 $0x0;
	p1 =	sgt.s32 s17, $0xFFF  }
0x12: {  	s17 =	smov.u32 @p1 s2;
	p1 =	sne.s32 s12, s7  }
.Ltmp1:
0x13: {  	p0 =	slt.u32 s12, $0x2;
	(pc) =	sbr.rel @!p1 .LBB1_8-.Ltmp1, $4  }
0x14: {  	s16 =	simm.s32 @!p0 $0x2  }
0x15: {  	s14 =	smov.u32 s11;
	_ =	swait.ge @!p0 [sflag:s16], $0x4000  }
0x16: {  	s13 =	smov.u32 s10;
	[sflag:s16] =	ssyncset.done @!p0 $0x0;
	s10 =	smov.u32 s15  }
0x17: {  	s12 =	sadd.s32 $0x1, s12;
	[sflag:s16] =	ssyncadd.s32 @!p0 $0xFFFFC000;
	s11 =	smov.u32 s17  }
.LBB1_1:
0x18: {  	p0 =	sge.u32 s12, s5  }
0x19: {  	s15 =	sand.u32 @!p0 $0x1FFFFFF, s10  }
0x1a: {  	s16 =	smulhi.u32 @!p0 $0x4924925, s15;
	_ =	sdelay $0x1  }
0x1b: {  	s16 =	smul.u32 @!p0 $0x38, s16  }
0x1c: {  	s17 =	sxor.u32 @!p0 $0xFFFFFFFF, s12;
	s18 =	smul.u32 @!p0 $0x380, s11  }
0x1d: {  	s31 =	sadd.s32 $0xFFFFFFFF, s12;
	s17 =	sshll.u32 @!p0 s17, $0xE;
	s15 =	ssub.s32 @!p0 s15, s16  }
0x1e: {  	s16 =	sand.u32 @!p0 $0x4000, s17;
	s17 =	sadd.s32 @!p0 s6, s18;
	s15 =	sshll.u32 @!p0 s15, $0x4  }
0x1f: {  	s18 =	simm.s32 @!p0 $0x1C00;
	s15 =	sadd.s32 @!p0 s15, s17;
	s17 =	simm.s32 @!p0 $0x100  }
0x20: {  	[tilespmem:s16], [sflag:$0x1] =	stream.strided.gather @!p0 [hbm4b:s15+s17], $0x4000, s18, s17, $0x38;
	[tilespmem:$0x10000] =	vst v63  }
0x21: {  	p0 =	sge.u32 s31, s5  }
.Ltmp2:
0x22: {  	_ = 	snop;
	(pc) =	sbr.rel @p0 .LBB1_7-.Ltmp2, $1  }
0x23: {  	_ =	sdelay $0x3  }
0x24: {  	_ =	swait.ge [sflag:s4], $0x4000;
	s15 =	sshll.u32 s12, $0xE  }
0x25: {  	[sflag:s4] =	ssyncset.done $0x0;
	s16 =	sand.u32 $0x4000, s15  }
0x26: {  	s17 =	simm.s32 $0x0;
	[sflag:s4] =	ssyncadd.s32 $0xFFFFC000;
	s15 =	sor.u32 $0x8000, s16  }
.LBB1_3:
0x27: {  	s18 =	sshll.u32 s17, $0x8  }
0x28: {  	s18 =	sand.u32 $0x3FFFFF00, s18  }
0x29: {  	s19 =	sshll.u32 s17, $0x7;
	s18 =	sadd.s32 s18, s16  }
0x2a: {  	s19 =	sand.u32 $0x3FFFFF80, s19;
	v0 =	vmov s18  }
0x2b: {  	s19 =	sadd.s32 s19, s15  }
0x2c: {  	p0 =	por $0x1, $0x1;
	v1 =	vmov s19;
	s18 =	simm.s32 $0x0  }
.LBB1_4:
0x2d: {  	s19 =	sshll.u32 s18, $0x7  }
0x2e: {  	s19 =	sand.u32 $0x3FFFFF80, s19  }
0x2f: {  	v2 =	vld.idx.msk [tilespmem:v0+s19+$0x0 ss:$0x1], $0xffff  }
0x30: {  	v3 =	vld.idx.msk [tilespmem:v0+s19+$0x10 ss:$0x1], $0xffff  }
0x31: {  	v4 =	vld.idx.msk [tilespmem:v0+s19+$0x20 ss:$0x1], $0xffff  }
0x32: {  	s31 =	sshll.u32 s18, $0xD;
	v5 =	vld.idx.msk [tilespmem:v0+s19+$0x30 ss:$0x1], $0xffff  }
0x33: {  	s18 =	sand.u32 $0x3FFFE000, s31;
	v6 =	vld.idx.msk [tilespmem:v0+s19+$0x40 ss:$0x1], $0xffff  }
0x34: {  	v63 =	vld.idx.msk [tilespmem:v0+s19+$0x70 ss:$0x1], $0xffff;
	[tilespmem:v1+s18+$0x0 ss:$0x1] =	vst.idx.msk $0xffff, v2  }
0x35: {  	v2 =	vld.idx.msk [tilespmem:v0+s19+$0x50 ss:$0x1], $0xffff;
	[tilespmem:v1+s18+$0x10 ss:$0x1] =	vst.idx.msk $0xffff, v3  }
0x36: {  	p1 =	por p0, p0;
	v3 =	vld.idx.msk [tilespmem:v0+s19+$0x60 ss:$0x1], $0xffff;
	[tilespmem:v1+s18+$0x20 ss:$0x1] =	vst.idx.msk $0xffff, v4  }
.Ltmp3:
0x37: {  	[tilespmem:v1+s18+$0x30 ss:$0x1] =	vst.idx.msk $0xffff, v5;
	(pc) =	sbr.rel @p1 .LBB1_4-.Ltmp3, $4  }
0x38: {  	[tilespmem:v1+s18+$0x40 ss:$0x1] =	vst.idx.msk $0xffff, v6  }
0x39: {  	[tilespmem:v1+s18+$0x70 ss:$0x1] =	vst.idx.msk $0xffff, v63  }
0x3a: {  	[tilespmem:v1+s18+$0x50 ss:$0x1] =	vst.idx.msk $0xffff, v2  }
0x3b: {  	p0 =	por $0x0, $0x0;
	[tilespmem:v1+s18+$0x60 ss:$0x1] =	vst.idx.msk $0xffff, v3;
	s18 =	simm.s32 $0x1  }
0x3c: {  	s17 =	sadd.s32 $0x1, s17  }
0x3d: {  	p0 =	sne.s32 s17, $0x40  }
.Ltmp4:
0x3e: {  	_ = 	snop;
	(pc) =	sbr.rel @p0 .LBB1_3-.Ltmp4, $1  }
0x3f: {  	_ =	sdelay $0x3  }
.Ltmp5:
0x40: {  	s14 =	sshll.u32 s14, $0x4;
	(pc) =	sbr.rel .LBB1_7-.Ltmp5, $4  }
0x41: {  	s14 =	sand.u32 $0xFFF0, s14  }
0x42: {  	s13 =	sshll.u32 s13, $0x10;
	s14 =	sadd.s32 s3, s14  }
0x43: {  	s13 =	sadd.s32 s13, s14  }
0x44: {  	[hbm4b:s13+s8] =	stream.strided.scatter [tilespmem:s15], [sflag:$0x2], $0x4000, s9, s8, $0x38;
	[tilespmem:$0x10000] =	vst v63  }
.LBB1_8:
0x45: {  	_ =	sfence.sel $0x180000  }
0x46: {  	s2 =	simm.s32 $0x1;
	[bflag:$0x0] =	sbarrier.arrive $0xFFFF  }
0x47: {  	s31 =	simm.s32 $0x2;
	[sflag:s2] =	ssyncpa.u1 $0x1  }
0x48: {  	[sflag:s31] =	ssyncpa.u1 $0x1  }
0x49: {  	p0 =	sne.s32 s0, $0x0;
	_ =	strace $0x9000004A  }
0x4a: {  	s0 =	sadd.s32 @!p0 $0x100000, s1;
	[bflag:$0x2] =	sbarrier.arrive $0xFFFF  }
0x4b: {  	[sflag:s0] =	ssyncadd.tile.s32 @!p0 $0x1;
	_ =	shalt  }
.Lfunc_end1:
_tile_overlayer_lowered:
.L_overlay_start_2:
0x4c: {  	(tag) =	ssettag $0x2  }
0x4d: {  	s0 =	rddreg [dreg:$0x0];
	s2 =	stileid.u32  }
0x4e: {  	s1 =	rddreg [dreg:$0x1];
	p0 =	sne.s32 s2, $0x0  }
0x4f: {  	s3 =	rddreg [dreg:$0x2];
	[bflag:$0x3] =	sbarrier.arrive $0xFFFF;
	s2 =	simm.s32 @!p0 $0x1C01  }
0x50: {  	[timem:s3], [sflag:s2] =	dma.local @!p0 [hbm:s0], s1  }
0x51: {  	s0 =	simm.s32 @!p0 $0x1  }
0x52: {  	_ =	swait.ge @!p0 [sflag:s0], s1  }
0x53: {  	s1 =	ssub.s32 @!p0 $0x0, s1;
	[sflag:s0] =	ssyncset.done @!p0 $0x0  }
0x54: {  	[sflag:s0] =	ssyncadd.s32 @!p0 s1  }
0x55: {  	[bflag:$0x3] =	sbarrier.arrive $0xFFFF  }
0x56: {  	_ =	shalt  }

</sc_bundles>
